<compile_context>
chip_gen: v7x
topology: tpu7x:2x2x1
jax: 0.10.2.dev20260603
libtpu: 0.0.44.dev20260713+nightly
codegen_flags: <defaults>
</compile_context>

<pallas_src>
import functools

import jax
import jax.numpy as jnp
from jax import lax
from jax.experimental import pallas as pl
from jax.experimental.pallas import tpu as pltpu
from jax.experimental.pallas import tpu_sc as plsc

_CH = 128


def _pad128_tc(table, v, d):
  rows = 10000

  def body(x_ref, o_ref):
    o_ref[...] = x_ref[...]

  return pl.pallas_call(
      body,
      grid=(v // rows,),
      in_specs=[pl.BlockSpec((rows, 128), lambda i: (i, 0))],
      out_specs=pl.BlockSpec((rows, 128), lambda i: (i, 0)),
      out_shape=jax.ShapeDtypeStruct((v, 128), jnp.float32),
  )(table)


def _emb_lookup(x2d, tablep, b, s, n, d, per_w, n_ch):
  mesh = plsc.VectorSubcoreMesh(core_axis_name="c", subcore_axis_name="s")
  nc = 2

  @functools.partial(
      pl.kernel,
      mesh=mesh,
      out_type=jax.ShapeDtypeStruct((b, s, d), jnp.float32),
      scratch_types=[
          pltpu.VMEM((n_ch, _CH), jnp.int32),
          pltpu.VMEM((_CH, 128), jnp.float32),
          pltpu.VMEM((_CH, 128), jnp.float32),
          pltpu.VMEM((_CH, d), jnp.float32),
          pltpu.VMEM((_CH, d), jnp.float32),
          pltpu.SemaphoreType.DMA,
          pltpu.SemaphoreType.DMA,
          pltpu.SemaphoreType.DMA,
          pltpu.SemaphoreType.DMA,
      ],
  )
  def emb_k(idx_hbm, table_hbm, out3_hbm, idx_v, rows_a, rows_b, stag_a,
            stag_b, gsem_a, gsem_b, osem_a, osem_b):
    wid = lax.axis_index("s") * nc + lax.axis_index("c")
    base = wid * per_w
    out_hbm = out3_hbm.reshape(n, d)
    pltpu.sync_copy(idx_hbm.at[pl.ds(wid * n_ch, n_ch)], idx_v)

    def gath(i, buf, sem):
      pltpu.async_copy(table_hbm.at[idx_v.at[i]], buf, sem)

    def gwait(i, buf, sem):
      pltpu.make_async_copy(table_hbm.at[idx_v.at[i]], buf, sem).wait()

    def oput(i, stag, sem):
      pltpu.async_copy(stag, out_hbm.at[pl.ds(base + i * _CH, _CH)], sem)

    def owait(i, stag, sem):
      pltpu.make_async_copy(
          stag, out_hbm.at[pl.ds(base + i * _CH, _CH)], sem
      ).wait()

    def compact(rows, stag):
      def crow(j, _):
        for k in range(6):
          stag[j, pl.ds(16 * k, 16)] = rows[j, pl.ds(16 * k, 16)]
        stag[j, pl.ds(d - 16, 16)] = rows[j, pl.ds(d - 16, 16)]
        return 0

      lax.fori_loop(0, _CH, crow, 0)

    gath(0, rows_a, gsem_a)

    def body(j, _):
      i0 = 2 * j
      gath(i0 + 1, rows_b, gsem_b)
      gwait(i0, rows_a, gsem_a)

      @pl.when(j > 0)
      def _():
        owait(i0 - 2, stag_a, osem_a)

      compact(rows_a, stag_a)
      oput(i0, stag_a, osem_a)

      @pl.when(i0 + 2 < n_ch)
      def _():
        gath(i0 + 2, rows_a, gsem_a)

      gwait(i0 + 1, rows_b, gsem_b)

      @pl.when(j > 0)
      def _():
        owait(i0 - 1, stag_b, osem_b)

      compact(rows_b, stag_b)
      oput(i0 + 1, stag_b, osem_b)
      return 0

    lax.fori_loop(0, n_ch // 2, body, 0)
    owait(n_ch - 2, stag_a, osem_a)
    owait(n_ch - 1, stag_b, osem_b)

  return emb_k(x2d, tablep)


def kernel(x, table):
  b, s = x.shape
  v, d = table.shape
  n = b * s
  per_w = n // 32
  n_ch = per_w // _CH
  x2d = x.reshape(n // _CH, _CH).astype(jnp.int32)
  tablep = _pad128_tc(table, v, d)
  return _emb_lookup(x2d, tablep, b, s, n, d, per_w, n_ch)

# --- scband reference (transcript-rebuilt; emitter-appended) ---
"""Pipeline reference for scband-embedding-73023033966788 (READ-ONLY COPY).

The authoritative reference and input builder live on the scoring server;
editing this copy changes nothing except your own understanding.
"""

import jax, jax.numpy as jnp
import numpy as np

VOCAB = 1000000
EMBED_DIM = 100
PAD = 0

def setup_inputs(seed: int = 0) -> dict:
    key = jax.random.key(seed)
    k_idx, k_tab = jax.random.split(key)
    x = jax.random.randint(k_idx, (4096, 200), 0, VOCAB, dtype=jnp.int64) if jax.config.jax_enable_x64 else jax.random.randint(k_idx, (4096, 200), 0, VOCAB, dtype=jnp.int32)
    table = jax.random.normal(k_tab, (VOCAB, EMBED_DIM), dtype=jnp.float32)
    # padding_idx=0: row 0 is zero
    table = table.at[PAD].set(0.0)
    return {"x": x, "table": table}

def reference(x, table):
    # nn.Embedding(vocab_size, embed_dim, padding_idx=0) forward: gather rows
    emb = jnp.take(table, x, axis=0)
    # padding positions map to the zero row (row 0 is zeroed in setup); mask keeps
    # output exactly zero and matches padding semantics
    mask = (x != PAD)[..., None].astype(emb.dtype)
    return emb * mask

if __name__ == "__main__":
    import jax
    _d = setup_inputs()
    print(jax.jit(kernel)(*tuple(_d.values())))

</pallas_src>

<mosaic_0001>
#map = affine_map<(d0, d1) -> (0, 0)>
#map1 = affine_map<(d0, d1) -> (0, 0, 0)>
module attributes {stable_mosaic.version = 14 : i64} {
  func.func @emb_k(%arg0: i32, %arg1: i32, %arg2: memref<6400x128xi32, #tpu.memory_space<hbm>>, %arg3: memref<1000000x128xf32, #tpu.memory_space<hbm>>, %arg4: memref<4096x200x100xf32, #tpu.memory_space<hbm>>, %arg5: memref<200x128xi32, #tpu.memory_space<vmem>>, %arg6: memref<128x128xf32, #tpu.memory_space<vmem>>, %arg7: memref<128x128xf32, #tpu.memory_space<vmem>>, %arg8: memref<128x100xf32, #tpu.memory_space<vmem>>, %arg9: memref<128x100xf32, #tpu.memory_space<vmem>>, %arg10: memref<!tpu.dma_semaphore, #tpu.memory_space<semaphore_mem>>, %arg11: memref<!tpu.dma_semaphore, #tpu.memory_space<semaphore_mem>>, %arg12: memref<!tpu.dma_semaphore, #tpu.memory_space<semaphore_mem>>, %arg13: memref<!tpu.dma_semaphore, #tpu.memory_space<semaphore_mem>>) attributes {dimension_semantics = [#tpu.dimension_semantics<core_parallel>, #tpu.dimension_semantics<subcore_parallel>], iteration_bounds = array<i64: 2, 16>, scalar_prefetch = 0 : i64, scratch_operands = 9 : i64, tpu.core_type = #tpu.core_type<sc_vector_subcore>, window_params = [{transform_indices = #map}, {transform_indices = #map}, {transform_indices = #map1}]} {
    %mul3A = arith.constant 2 : i32
    %mul3A_0 = arith.muli %arg1, %mul3A : i32
    %add3A = arith.addi %mul3A_0, %arg0 : i32
    %mul3A_1 = arith.constant 25600 : i32
    %mul3A_2 = arith.muli %add3A, %mul3A_1 : i32
    %mul3A_3 = arith.constant 200 : i32
    %mul3A_4 = arith.muli %add3A, %mul3A_3 : i32
    "tpu.region"() ({
      %run_scoped3A = tpu.sem_alloc : memref<!tpu.dma_semaphore, #tpu.memory_space<semaphore_mem>>
      %dma_start3A_32 = arith.constant 0 : i32
      %dma_start3A_33 = tpu.memref_slice %arg2[%mul3A_4, %dma_start3A_32] : memref<6400x128xi32, #tpu.memory_space<hbm>> -> memref<200x128xi32, #tpu.memory_space<hbm>>
      %dma_start3A_34 = arith.constant 0 : i32
      %dma_start3A_35 = tpu.memref_slice %arg2[%mul3A_4, %dma_start3A_34] : memref<6400x128xi32, #tpu.memory_space<hbm>> -> memref<200x128xi32, #tpu.memory_space<hbm>>
      tpu.enqueue_dma source(%dma_start3A_35 : memref<200x128xi32, #tpu.memory_space<hbm>>) target(%arg5 : memref<200x128xi32, #tpu.memory_space<vmem>>) target_semaphore(%run_scoped3A : memref<!tpu.dma_semaphore, #tpu.memory_space<semaphore_mem>>)
      %dma_wait3A_36 = arith.constant 0 : i32
      %dma_wait3A_37 = tpu.memref_slice %arg2[%mul3A_4, %dma_wait3A_36] : memref<6400x128xi32, #tpu.memory_space<hbm>> -> memref<200x128xi32, #tpu.memory_space<hbm>>
      %dma_wait3A_38 = arith.constant 0 : i32
      %dma_wait3A_39 = tpu.memref_slice %arg2[%mul3A_4, %dma_wait3A_38] : memref<6400x128xi32, #tpu.memory_space<hbm>> -> memref<200x128xi32, #tpu.memory_space<hbm>>
      tpu.wait_dma2 semaphore(%run_scoped3A : memref<!tpu.dma_semaphore, #tpu.memory_space<semaphore_mem>>) src(%dma_wait3A_39 : memref<200x128xi32, #tpu.memory_space<hbm>>) dst(%arg5 : memref<200x128xi32, #tpu.memory_space<vmem>>)
      tpu.yield
    }) : () -> ()
    %dma_start3A = arith.constant 0 : i32
    %dma_start3A_5 = arith.constant 0 : i32
    %dma_start3A_6 = tpu.memref_slice %arg5[%dma_start3A, %dma_start3A_5] : memref<200x128xi32, #tpu.memory_space<vmem>> -> memref<1x128xi32, #tpu.memory_space<vmem>>
    %dma_start3A_7 = tpu.memref_squeeze %dma_start3A_6 : memref<1x128xi32, #tpu.memory_space<vmem>> -> memref<128xi32, #tpu.memory_space<vmem>>
    %dma_start3A_8 = arith.constant 0 : i32
    %dma_start3A_9 = arith.constant 0 : i32
    %dma_start3A_10 = tpu.memref_slice %arg3[%dma_start3A_8, %dma_start3A_9] : memref<1000000x128xf32, #tpu.memory_space<hbm>> -> memref<1000000x128xf32, #tpu.memory_space<hbm>>
    tpu.enqueue_indirect_dma source(%dma_start3A_10 : memref<1000000x128xf32, #tpu.memory_space<hbm>>) target(%arg6 : memref<128x128xf32, #tpu.memory_space<vmem>>) offsets(%dma_start3A_7 : memref<128xi32, #tpu.memory_space<vmem>>) semaphore(%arg10 : memref<!tpu.dma_semaphore, #tpu.memory_space<semaphore_mem>>)
    %scan3A = arith.constant 0 : i32
    %scan3A_11 = arith.constant 0 : i32
    %scan3A_12 = arith.constant 100 : i32
    %scan3A_13 = arith.addi %scan3A_11, %scan3A_12 : i32
    %scan3A_14 = arith.constant 1 : i32
    %scan3A_15 = scf.for %scan3A_32 = %scan3A_11 to %scan3A_13 step %scan3A_14 iter_args(%scan3A_33 = %scan3A) -> (i32)  : i32 {
      %mul3A_34 = arith.constant 2 : i32
      %mul3A_35 = arith.muli %mul3A_34, %scan3A_32 : i32
      %add3A_36 = arith.constant 1 : i32
      %add3A_37 = arith.addi %mul3A_35, %add3A_36 : i32
      %dma_start3A_38 = arith.constant 0 : i32
      %dma_start3A_39 = tpu.memref_slice %arg5[%add3A_37, %dma_start3A_38] : memref<200x128xi32, #tpu.memory_space<vmem>> -> memref<1x128xi32, #tpu.memory_space<vmem>>
      %dma_start3A_40 = tpu.memref_squeeze %dma_start3A_39 : memref<1x128xi32, #tpu.memory_space<vmem>> -> memref<128xi32, #tpu.memory_space<vmem>>
      %dma_start3A_41 = arith.constant 0 : i32
      %dma_start3A_42 = arith.constant 0 : i32
      %dma_start3A_43 = tpu.memref_slice %arg3[%dma_start3A_41, %dma_start3A_42] : memref<1000000x128xf32, #tpu.memory_space<hbm>> -> memref<1000000x128xf32, #tpu.memory_space<hbm>>
      tpu.enqueue_indirect_dma source(%dma_start3A_43 : memref<1000000x128xf32, #tpu.memory_space<hbm>>) target(%arg7 : memref<128x128xf32, #tpu.memory_space<vmem>>) offsets(%dma_start3A_40 : memref<128xi32, #tpu.memory_space<vmem>>) semaphore(%arg11 : memref<!tpu.dma_semaphore, #tpu.memory_space<semaphore_mem>>)
      %dma_wait3A_44 = arith.constant 0 : i32
      %dma_wait3A_45 = tpu.memref_slice %arg5[%mul3A_35, %dma_wait3A_44] : memref<200x128xi32, #tpu.memory_space<vmem>> -> memref<1x128xi32, #tpu.memory_space<vmem>>
      %dma_wait3A_46 = tpu.memref_squeeze %dma_wait3A_45 : memref<1x128xi32, #tpu.memory_space<vmem>> -> memref<128xi32, #tpu.memory_space<vmem>>
      %dma_wait3A_47 = arith.constant 0 : i32
      %dma_wait3A_48 = arith.constant 0 : i32
      %dma_wait3A_49 = tpu.memref_slice %arg3[%dma_wait3A_47, %dma_wait3A_48] : memref<1000000x128xf32, #tpu.memory_space<hbm>> -> memref<1000000x128xf32, #tpu.memory_space<hbm>>
      tpu.wait_indirect_dma semaphore(%arg10 : memref<!tpu.dma_semaphore, #tpu.memory_space<semaphore_mem>>) src(%dma_wait3A_49 : memref<1000000x128xf32, #tpu.memory_space<hbm>>) dst(%arg6 : memref<128x128xf32, #tpu.memory_space<vmem>>)
      %gt3A = arith.constant 0 : i32
      %gt3A_50 = arith.cmpi sgt, %scan3A_32, %gt3A : i32
      %convert_element_type3A = arith.extui %gt3A_50 : i1 to i32
      %cond3A = arith.constant 0 : i32
      %cond3A_51 = arith.cmpi ne, %convert_element_type3A, %cond3A : i32
      scf.if %cond3A_51 {
        %sub3A = arith.constant 2 : i32
        %sub3A_106 = arith.subi %mul3A_35, %sub3A : i32
        %mul3A_107 = arith.constant 128 : i32
        %mul3A_108 = arith.muli %sub3A_106, %mul3A_107 : i32
        %add3A_109 = arith.addi %mul3A_2, %mul3A_108 : i32
        %dma_wait3A_110 = tpu.memref_reshape %arg4 : memref<4096x200x100xf32, #tpu.memory_space<hbm>> -> memref<819200x100xf32, #tpu.memory_space<hbm>>
        %dma_wait3A_111 = arith.constant 0 : i32
        %dma_wait3A_112 = tpu.memref_slice %dma_wait3A_110[%add3A_109, %dma_wait3A_111] : memref<819200x100xf32, #tpu.memory_space<hbm>> -> memref<128x100xf32, #tpu.memory_space<hbm>>
        %dma_wait3A_113 = tpu.memref_reshape %arg4 : memref<4096x200x100xf32, #tpu.memory_space<hbm>> -> memref<819200x100xf32, #tpu.memory_space<hbm>>
        %dma_wait3A_114 = arith.constant 0 : i32
        %dma_wait3A_115 = tpu.memref_slice %dma_wait3A_113[%add3A_109, %dma_wait3A_114] : memref<819200x100xf32, #tpu.memory_space<hbm>> -> memref<128x100xf32, #tpu.memory_space<hbm>>
        tpu.wait_dma2 semaphore(%arg12 : memref<!tpu.dma_semaphore, #tpu.memory_space<semaphore_mem>>) src(%arg8 : memref<128x100xf32, #tpu.memory_space<vmem>>) dst(%dma_wait3A_115 : memref<128x100xf32, #tpu.memory_space<hbm>>)
      } else {
      }
      %scan3A_52 = arith.constant 0 : i32
      %scan3A_53 = arith.constant 0 : i32
      %scan3A_54 = arith.constant 128 : i32
      %scan3A_55 = arith.addi %scan3A_53, %scan3A_54 : i32
      %scan3A_56 = arith.constant 1 : i32
      %scan3A_57 = scf.for %scan3A_106 = %scan3A_53 to %scan3A_55 step %scan3A_56 iter_args(%scan3A_107 = %scan3A_52) -> (i32)  : i32 {
        %get3A = arith.index_cast %scan3A_106 : i32 to index
        %get3A_108 = arith.constant 0 : index
        %get3A_109 = tpu.vector_load %arg6[%get3A, %get3A_108] {strides = array<i32>} : memref<128x128xf32, #tpu.memory_space<vmem>>, vector<1x16xf32>,
        %get3A_110 = vector.shape_cast %get3A_109 : vector<1x16xf32> to vector<16xf32>
        %swap3A = arith.index_cast %scan3A_106 : i32 to index
        %swap3A_111 = arith.constant 0 : index
        %swap3A_112 = tpu.vector_load %arg8[%swap3A, %swap3A_111] {strides = array<i32>} : memref<128x100xf32, #tpu.memory_space<vmem>>, vector<1x16xf32>,
        %swap3A_113 = vector.shape_cast %swap3A_112 : vector<1x16xf32> to vector<16xf32>
        %swap3A_114 = vector.shape_cast %get3A_110 : vector<16xf32> to vector<1x16xf32>
        tpu.vector_store %arg8[%swap3A, %swap3A_111], %swap3A_114 {strides = array<i32>} : memref<128x100xf32, #tpu.memory_space<vmem>>, vector<1x16xf32>,
        %get3A_115 = arith.index_cast %scan3A_106 : i32 to index
        %get3A_116 = arith.constant 16 : index
        %get3A_117 = tpu.vector_load %arg6[%get3A_115, %get3A_116] {strides = array<i32>} : memref<128x128xf32, #tpu.memory_space<vmem>>, vector<1x16xf32>,
        %get3A_118 = vector.shape_cast %get3A_117 : vector<1x16xf32> to vector<16xf32>
        %swap3A_119 = arith.index_cast %scan3A_106 : i32 to index
        %swap3A_120 = arith.constant 16 : index
        %swap3A_121 = tpu.vector_load %arg8[%swap3A_119, %swap3A_120] {strides = array<i32>} : memref<128x100xf32, #tpu.memory_space<vmem>>, vector<1x16xf32>,
        %swap3A_122 = vector.shape_cast %swap3A_121 : vector<1x16xf32> to vector<16xf32>
        %swap3A_123 = vector.shape_cast %get3A_118 : vector<16xf32> to vector<1x16xf32>
        tpu.vector_store %arg8[%swap3A_119, %swap3A_120], %swap3A_123 {strides = array<i32>} : memref<128x100xf32, #tpu.memory_space<vmem>>, vector<1x16xf32>,
        %get3A_124 = arith.index_cast %scan3A_106 : i32 to index
        %get3A_125 = arith.constant 32 : index
        %get3A_126 = tpu.vector_load %arg6[%get3A_124, %get3A_125] {strides = array<i32>} : memref<128x128xf32, #tpu.memory_space<vmem>>, vector<1x16xf32>,
        %get3A_127 = vector.shape_cast %get3A_126 : vector<1x16xf32> to vector<16xf32>
        %swap3A_128 = arith.index_cast %scan3A_106 : i32 to index
        %swap3A_129 = arith.constant 32 : index
        %swap3A_130 = tpu.vector_load %arg8[%swap3A_128, %swap3A_129] {strides = array<i32>} : memref<128x100xf32, #tpu.memory_space<vmem>>, vector<1x16xf32>,
        %swap3A_131 = vector.shape_cast %swap3A_130 : vector<1x16xf32> to vector<16xf32>
        %swap3A_132 = vector.shape_cast %get3A_127 : vector<16xf32> to vector<1x16xf32>
        tpu.vector_store %arg8[%swap3A_128, %swap3A_129], %swap3A_132 {strides = array<i32>} : memref<128x100xf32, #tpu.memory_space<vmem>>, vector<1x16xf32>,
        %get3A_133 = arith.index_cast %scan3A_106 : i32 to index
        %get3A_134 = arith.constant 48 : index
        %get3A_135 = tpu.vector_load %arg6[%get3A_133, %get3A_134] {strides = array<i32>} : memref<128x128xf32, #tpu.memory_space<vmem>>, vector<1x16xf32>,
        %get3A_136 = vector.shape_cast %get3A_135 : vector<1x16xf32> to vector<16xf32>
        %swap3A_137 = arith.index_cast %scan3A_106 : i32 to index
        %swap3A_138 = arith.constant 48 : index
        %swap3A_139 = tpu.vector_load %arg8[%swap3A_137, %swap3A_138] {strides = array<i32>} : memref<128x100xf32, #tpu.memory_space<vmem>>, vector<1x16xf32>,
        %swap3A_140 = vector.shape_cast %swap3A_139 : vector<1x16xf32> to vector<16xf32>
        %swap3A_141 = vector.shape_cast %get3A_136 : vector<16xf32> to vector<1x16xf32>
        tpu.vector_store %arg8[%swap3A_137, %swap3A_138], %swap3A_141 {strides = array<i32>} : memref<128x100xf32, #tpu.memory_space<vmem>>, vector<1x16xf32>,
        %get3A_142 = arith.index_cast %scan3A_106 : i32 to index
        %get3A_143 = arith.constant 64 : index
        %get3A_144 = tpu.vector_load %arg6[%get3A_142, %get3A_143] {strides = array<i32>} : memref<128x128xf32, #tpu.memory_space<vmem>>, vector<1x16xf32>,
        %get3A_145 = vector.shape_cast %get3A_144 : vector<1x16xf32> to vector<16xf32>
        %swap3A_146 = arith.index_cast %scan3A_106 : i32 to index
        %swap3A_147 = arith.constant 64 : index
        %swap3A_148 = tpu.vector_load %arg8[%swap3A_146, %swap3A_147] {strides = array<i32>} : memref<128x100xf32, #tpu.memory_space<vmem>>, vector<1x16xf32>,
        %swap3A_149 = vector.shape_cast %swap3A_148 : vector<1x16xf32> to vector<16xf32>
        %swap3A_150 = vector.shape_cast %get3A_145 : vector<16xf32> to vector<1x16xf32>
        tpu.vector_store %arg8[%swap3A_146, %swap3A_147], %swap3A_150 {strides = array<i32>} : memref<128x100xf32, #tpu.memory_space<vmem>>, vector<1x16xf32>,
        %get3A_151 = arith.index_cast %scan3A_106 : i32 to index
        %get3A_152 = arith.constant 80 : index
        %get3A_153 = tpu.vector_load %arg6[%get3A_151, %get3A_152] {strides = array<i32>} : memref<128x128xf32, #tpu.memory_space<vmem>>, vector<1x16xf32>,
        %get3A_154 = vector.shape_cast %get3A_153 : vector<1x16xf32> to vector<16xf32>
        %swap3A_155 = arith.index_cast %scan3A_106 : i32 to index
        %swap3A_156 = arith.constant 80 : index
        %swap3A_157 = tpu.vector_load %arg8[%swap3A_155, %swap3A_156] {strides = array<i32>} : memref<128x100xf32, #tpu.memory_space<vmem>>, vector<1x16xf32>,
        %swap3A_158 = vector.shape_cast %swap3A_157 : vector<1x16xf32> to vector<16xf32>
        %swap3A_159 = vector.shape_cast %get3A_154 : vector<16xf32> to vector<1x16xf32>
        tpu.vector_store %arg8[%swap3A_155, %swap3A_156], %swap3A_159 {strides = array<i32>} : memref<128x100xf32, #tpu.memory_space<vmem>>, vector<1x16xf32>,
        %get3A_160 = arith.index_cast %scan3A_106 : i32 to index
        %get3A_161 = arith.constant 84 : index
        %get3A_162 = tpu.vector_load %arg6[%get3A_160, %get3A_161] {strides = array<i32>} : memref<128x128xf32, #tpu.memory_space<vmem>>, vector<1x16xf32>,
        %get3A_163 = vector.shape_cast %get3A_162 : vector<1x16xf32> to vector<16xf32>
        %swap3A_164 = arith.index_cast %scan3A_106 : i32 to index
        %swap3A_165 = arith.constant 84 : index
        %swap3A_166 = tpu.vector_load %arg8[%swap3A_164, %swap3A_165] {strides = array<i32>} : memref<128x100xf32, #tpu.memory_space<vmem>>, vector<1x16xf32>,
        %swap3A_167 = vector.shape_cast %swap3A_166 : vector<1x16xf32> to vector<16xf32>
        %swap3A_168 = vector.shape_cast %get3A_163 : vector<16xf32> to vector<1x16xf32>
        tpu.vector_store %arg8[%swap3A_164, %swap3A_165], %swap3A_168 {strides = array<i32>} : memref<128x100xf32, #tpu.memory_space<vmem>>, vector<1x16xf32>,
        %scan3A_169 = arith.constant 0 : i32
        scf.yield %scan3A_169 : i32
      }
      %scan3A_58 = arith.constant 128 : i32
      %mul3A_59 = arith.constant 128 : i32
      %mul3A_60 = arith.muli %mul3A_35, %mul3A_59 : i32
      %add3A_61 = arith.addi %mul3A_2, %mul3A_60 : i32
      %dma_start3A_62 = tpu.memref_reshape %arg4 : memref<4096x200x100xf32, #tpu.memory_space<hbm>> -> memref<819200x100xf32, #tpu.memory_space<hbm>>
      %dma_start3A_63 = arith.constant 0 : i32
      %dma_start3A_64 = tpu.memref_slice %dma_start3A_62[%add3A_61, %dma_start3A_63] : memref<819200x100xf32, #tpu.memory_space<hbm>> -> memref<128x100xf32, #tpu.memory_space<hbm>>
      %dma_start3A_65 = tpu.memref_reshape %arg4 : memref<4096x200x100xf32, #tpu.memory_space<hbm>> -> memref<819200x100xf32, #tpu.memory_space<hbm>>
      %dma_start3A_66 = arith.constant 0 : i32
      %dma_start3A_67 = tpu.memref_slice %dma_start3A_65[%add3A_61, %dma_start3A_66] : memref<819200x100xf32, #tpu.memory_space<hbm>> -> memref<128x100xf32, #tpu.memory_space<hbm>>
      tpu.enqueue_dma source(%arg8 : memref<128x100xf32, #tpu.memory_space<vmem>>) target(%dma_start3A_67 : memref<128x100xf32, #tpu.memory_space<hbm>>) target_semaphore(%arg12 : memref<!tpu.dma_semaphore, #tpu.memory_space<semaphore_mem>>)
      %add3A_68 = arith.constant 2 : i32
      %add3A_69 = arith.addi %mul3A_35, %add3A_68 : i32
      %lt3A = arith.constant 200 : i32
      %lt3A_70 = arith.cmpi slt, %add3A_69, %lt3A : i32
      %convert_element_type3A_71 = arith.extui %lt3A_70 : i1 to i32
      %cond3A_72 = arith.constant 0 : i32
      %cond3A_73 = arith.cmpi ne, %convert_element_type3A_71, %cond3A_72 : i32
      scf.if %cond3A_73 {
        %add3A_106 = arith.constant 2 : i32
        %add3A_107 = arith.addi %mul3A_35, %add3A_106 : i32
        %dma_start3A_108 = arith.constant 0 : i32
        %dma_start3A_109 = tpu.memref_slice %arg5[%add3A_107, %dma_start3A_108] : memref<200x128xi32, #tpu.memory_space<vmem>> -> memref<1x128xi32, #tpu.memory_space<vmem>>
        %dma_start3A_110 = tpu.memref_squeeze %dma_start3A_109 : memref<1x128xi32, #tpu.memory_space<vmem>> -> memref<128xi32, #tpu.memory_space<vmem>>
        %dma_start3A_111 = arith.constant 0 : i32
        %dma_start3A_112 = arith.constant 0 : i32
        %dma_start3A_113 = tpu.memref_slice %arg3[%dma_start3A_111, %dma_start3A_112] : memref<1000000x128xf32, #tpu.memory_space<hbm>> -> memref<1000000x128xf32, #tpu.memory_space<hbm>>
        tpu.enqueue_indirect_dma source(%dma_start3A_113 : memref<1000000x128xf32, #tpu.memory_space<hbm>>) target(%arg6 : memref<128x128xf32, #tpu.memory_space<vmem>>) offsets(%dma_start3A_110 : memref<128xi32, #tpu.memory_space<vmem>>) semaphore(%arg10 : memref<!tpu.dma_semaphore, #tpu.memory_space<semaphore_mem>>)
      } else {
      }
      %add3A_74 = arith.constant 1 : i32
      %add3A_75 = arith.addi %mul3A_35, %add3A_74 : i32
      %dma_wait3A_76 = arith.constant 0 : i32
      %dma_wait3A_77 = tpu.memref_slice %arg5[%add3A_75, %dma_wait3A_76] : memref<200x128xi32, #tpu.memory_space<vmem>> -> memref<1x128xi32, #tpu.memory_space<vmem>>
      %dma_wait3A_78 = tpu.memref_squeeze %dma_wait3A_77 : memref<1x128xi32, #tpu.memory_space<vmem>> -> memref<128xi32, #tpu.memory_space<vmem>>
      %dma_wait3A_79 = arith.constant 0 : i32
      %dma_wait3A_80 = arith.constant 0 : i32
      %dma_wait3A_81 = tpu.memref_slice %arg3[%dma_wait3A_79, %dma_wait3A_80] : memref<1000000x128xf32, #tpu.memory_space<hbm>> -> memref<1000000x128xf32, #tpu.memory_space<hbm>>
      tpu.wait_indirect_dma semaphore(%arg11 : memref<!tpu.dma_semaphore, #tpu.memory_space<semaphore_mem>>) src(%dma_wait3A_81 : memref<1000000x128xf32, #tpu.memory_space<hbm>>) dst(%arg7 : memref<128x128xf32, #tpu.memory_space<vmem>>)
      %gt3A_82 = arith.constant 0 : i32
      %gt3A_83 = arith.cmpi sgt, %scan3A_32, %gt3A_82 : i32
      %convert_element_type3A_84 = arith.extui %gt3A_83 : i1 to i32
      %cond3A_85 = arith.constant 0 : i32
      %cond3A_86 = arith.cmpi ne, %convert_element_type3A_84, %cond3A_85 : i32
      scf.if %cond3A_86 {
        %sub3A = arith.constant 1 : i32
        %sub3A_106 = arith.subi %mul3A_35, %sub3A : i32
        %mul3A_107 = arith.constant 128 : i32
        %mul3A_108 = arith.muli %sub3A_106, %mul3A_107 : i32
        %add3A_109 = arith.addi %mul3A_2, %mul3A_108 : i32
        %dma_wait3A_110 = tpu.memref_reshape %arg4 : memref<4096x200x100xf32, #tpu.memory_space<hbm>> -> memref<819200x100xf32, #tpu.memory_space<hbm>>
        %dma_wait3A_111 = arith.constant 0 : i32
        %dma_wait3A_112 = tpu.memref_slice %dma_wait3A_110[%add3A_109, %dma_wait3A_111] : memref<819200x100xf32, #tpu.memory_space<hbm>> -> memref<128x100xf32, #tpu.memory_space<hbm>>
        %dma_wait3A_113 = tpu.memref_reshape %arg4 : memref<4096x200x100xf32, #tpu.memory_space<hbm>> -> memref<819200x100xf32, #tpu.memory_space<hbm>>
        %dma_wait3A_114 = arith.constant 0 : i32
        %dma_wait3A_115 = tpu.memref_slice %dma_wait3A_113[%add3A_109, %dma_wait3A_114] : memref<819200x100xf32, #tpu.memory_space<hbm>> -> memref<128x100xf32, #tpu.memory_space<hbm>>
        tpu.wait_dma2 semaphore(%arg13 : memref<!tpu.dma_semaphore, #tpu.memory_space<semaphore_mem>>) src(%arg9 : memref<128x100xf32, #tpu.memory_space<vmem>>) dst(%dma_wait3A_115 : memref<128x100xf32, #tpu.memory_space<hbm>>)
      } else {
      }
      %scan3A_87 = arith.constant 0 : i32
      %scan3A_88 = arith.constant 0 : i32
      %scan3A_89 = arith.constant 128 : i32
      %scan3A_90 = arith.addi %scan3A_88, %scan3A_89 : i32
      %scan3A_91 = arith.constant 1 : i32
      %scan3A_92 = scf.for %scan3A_106 = %scan3A_88 to %scan3A_90 step %scan3A_91 iter_args(%scan3A_107 = %scan3A_87) -> (i32)  : i32 {
        %get3A = arith.index_cast %scan3A_106 : i32 to index
        %get3A_108 = arith.constant 0 : index
        %get3A_109 = tpu.vector_load %arg7[%get3A, %get3A_108] {strides = array<i32>} : memref<128x128xf32, #tpu.memory_space<vmem>>, vector<1x16xf32>,
        %get3A_110 = vector.shape_cast %get3A_109 : vector<1x16xf32> to vector<16xf32>
        %swap3A = arith.index_cast %scan3A_106 : i32 to index
        %swap3A_111 = arith.constant 0 : index
        %swap3A_112 = tpu.vector_load %arg9[%swap3A, %swap3A_111] {strides = array<i32>} : memref<128x100xf32, #tpu.memory_space<vmem>>, vector<1x16xf32>,
        %swap3A_113 = vector.shape_cast %swap3A_112 : vector<1x16xf32> to vector<16xf32>
        %swap3A_114 = vector.shape_cast %get3A_110 : vector<16xf32> to vector<1x16xf32>
        tpu.vector_store %arg9[%swap3A, %swap3A_111], %swap3A_114 {strides = array<i32>} : memref<128x100xf32, #tpu.memory_space<vmem>>, vector<1x16xf32>,
        %get3A_115 = arith.index_cast %scan3A_106 : i32 to index
        %get3A_116 = arith.constant 16 : index
        %get3A_117 = tpu.vector_load %arg7[%get3A_115, %get3A_116] {strides = array<i32>} : memref<128x128xf32, #tpu.memory_space<vmem>>, vector<1x16xf32>,
        %get3A_118 = vector.shape_cast %get3A_117 : vector<1x16xf32> to vector<16xf32>
        %swap3A_119 = arith.index_cast %scan3A_106 : i32 to index
        %swap3A_120 = arith.constant 16 : index
        %swap3A_121 = tpu.vector_load %arg9[%swap3A_119, %swap3A_120] {strides = array<i32>} : memref<128x100xf32, #tpu.memory_space<vmem>>, vector<1x16xf32>,
        %swap3A_122 = vector.shape_cast %swap3A_121 : vector<1x16xf32> to vector<16xf32>
        %swap3A_123 = vector.shape_cast %get3A_118 : vector<16xf32> to vector<1x16xf32>
        tpu.vector_store %arg9[%swap3A_119, %swap3A_120], %swap3A_123 {strides = array<i32>} : memref<128x100xf32, #tpu.memory_space<vmem>>, vector<1x16xf32>,
        %get3A_124 = arith.index_cast %scan3A_106 : i32 to index
        %get3A_125 = arith.constant 32 : index
        %get3A_126 = tpu.vector_load %arg7[%get3A_124, %get3A_125] {strides = array<i32>} : memref<128x128xf32, #tpu.memory_space<vmem>>, vector<1x16xf32>,
        %get3A_127 = vector.shape_cast %get3A_126 : vector<1x16xf32> to vector<16xf32>
        %swap3A_128 = arith.index_cast %scan3A_106 : i32 to index
        %swap3A_129 = arith.constant 32 : index
        %swap3A_130 = tpu.vector_load %arg9[%swap3A_128, %swap3A_129] {strides = array<i32>} : memref<128x100xf32, #tpu.memory_space<vmem>>, vector<1x16xf32>,
        %swap3A_131 = vector.shape_cast %swap3A_130 : vector<1x16xf32> to vector<16xf32>
        %swap3A_132 = vector.shape_cast %get3A_127 : vector<16xf32> to vector<1x16xf32>
        tpu.vector_store %arg9[%swap3A_128, %swap3A_129], %swap3A_132 {strides = array<i32>} : memref<128x100xf32, #tpu.memory_space<vmem>>, vector<1x16xf32>,
        %get3A_133 = arith.index_cast %scan3A_106 : i32 to index
        %get3A_134 = arith.constant 48 : index
        %get3A_135 = tpu.vector_load %arg7[%get3A_133, %get3A_134] {strides = array<i32>} : memref<128x128xf32, #tpu.memory_space<vmem>>, vector<1x16xf32>,
        %get3A_136 = vector.shape_cast %get3A_135 : vector<1x16xf32> to vector<16xf32>
        %swap3A_137 = arith.index_cast %scan3A_106 : i32 to index
        %swap3A_138 = arith.constant 48 : index
        %swap3A_139 = tpu.vector_load %arg9[%swap3A_137, %swap3A_138] {strides = array<i32>} : memref<128x100xf32, #tpu.memory_space<vmem>>, vector<1x16xf32>,
        %swap3A_140 = vector.shape_cast %swap3A_139 : vector<1x16xf32> to vector<16xf32>
        %swap3A_141 = vector.shape_cast %get3A_136 : vector<16xf32> to vector<1x16xf32>
        tpu.vector_store %arg9[%swap3A_137, %swap3A_138], %swap3A_141 {strides = array<i32>} : memref<128x100xf32, #tpu.memory_space<vmem>>, vector<1x16xf32>,
        %get3A_142 = arith.index_cast %scan3A_106 : i32 to index
        %get3A_143 = arith.constant 64 : index
        %get3A_144 = tpu.vector_load %arg7[%get3A_142, %get3A_143] {strides = array<i32>} : memref<128x128xf32, #tpu.memory_space<vmem>>, vector<1x16xf32>,
        %get3A_145 = vector.shape_cast %get3A_144 : vector<1x16xf32> to vector<16xf32>
        %swap3A_146 = arith.index_cast %scan3A_106 : i32 to index
        %swap3A_147 = arith.constant 64 : index
        %swap3A_148 = tpu.vector_load %arg9[%swap3A_146, %swap3A_147] {strides = array<i32>} : memref<128x100xf32, #tpu.memory_space<vmem>>, vector<1x16xf32>,
        %swap3A_149 = vector.shape_cast %swap3A_148 : vector<1x16xf32> to vector<16xf32>
        %swap3A_150 = vector.shape_cast %get3A_145 : vector<16xf32> to vector<1x16xf32>
        tpu.vector_store %arg9[%swap3A_146, %swap3A_147], %swap3A_150 {strides = array<i32>} : memref<128x100xf32, #tpu.memory_space<vmem>>, vector<1x16xf32>,
        %get3A_151 = arith.index_cast %scan3A_106 : i32 to index
        %get3A_152 = arith.constant 80 : index
        %get3A_153 = tpu.vector_load %arg7[%get3A_151, %get3A_152] {strides = array<i32>} : memref<128x128xf32, #tpu.memory_space<vmem>>, vector<1x16xf32>,
        %get3A_154 = vector.shape_cast %get3A_153 : vector<1x16xf32> to vector<16xf32>
        %swap3A_155 = arith.index_cast %scan3A_106 : i32 to index
        %swap3A_156 = arith.constant 80 : index
        %swap3A_157 = tpu.vector_load %arg9[%swap3A_155, %swap3A_156] {strides = array<i32>} : memref<128x100xf32, #tpu.memory_space<vmem>>, vector<1x16xf32>,
        %swap3A_158 = vector.shape_cast %swap3A_157 : vector<1x16xf32> to vector<16xf32>
        %swap3A_159 = vector.shape_cast %get3A_154 : vector<16xf32> to vector<1x16xf32>
        tpu.vector_store %arg9[%swap3A_155, %swap3A_156], %swap3A_159 {strides = array<i32>} : memref<128x100xf32, #tpu.memory_space<vmem>>, vector<1x16xf32>,
        %get3A_160 = arith.index_cast %scan3A_106 : i32 to index
        %get3A_161 = arith.constant 84 : index
        %get3A_162 = tpu.vector_load %arg7[%get3A_160, %get3A_161] {strides = array<i32>} : memref<128x128xf32, #tpu.memory_space<vmem>>, vector<1x16xf32>,
        %get3A_163 = vector.shape_cast %get3A_162 : vector<1x16xf32> to vector<16xf32>
        %swap3A_164 = arith.index_cast %scan3A_106 : i32 to index
        %swap3A_165 = arith.constant 84 : index
        %swap3A_166 = tpu.vector_load %arg9[%swap3A_164, %swap3A_165] {strides = array<i32>} : memref<128x100xf32, #tpu.memory_space<vmem>>, vector<1x16xf32>,
        %swap3A_167 = vector.shape_cast %swap3A_166 : vector<1x16xf32> to vector<16xf32>
        %swap3A_168 = vector.shape_cast %get3A_163 : vector<16xf32> to vector<1x16xf32>
        tpu.vector_store %arg9[%swap3A_164, %swap3A_165], %swap3A_168 {strides = array<i32>} : memref<128x100xf32, #tpu.memory_space<vmem>>, vector<1x16xf32>,
        %scan3A_169 = arith.constant 0 : i32
        scf.yield %scan3A_169 : i32
      }
      %scan3A_93 = arith.constant 128 : i32
      %add3A_94 = arith.constant 1 : i32
      %add3A_95 = arith.addi %mul3A_35, %add3A_94 : i32
      %mul3A_96 = arith.constant 128 : i32
      %mul3A_97 = arith.muli %add3A_95, %mul3A_96 : i32
      %add3A_98 = arith.addi %mul3A_2, %mul3A_97 : i32
      %dma_start3A_99 = tpu.memref_reshape %arg4 : memref<4096x200x100xf32, #tpu.memory_space<hbm>> -> memref<819200x100xf32, #tpu.memory_space<hbm>>
      %dma_start3A_100 = arith.constant 0 : i32
      %dma_start3A_101 = tpu.memref_slice %dma_start3A_99[%add3A_98, %dma_start3A_100] : memref<819200x100xf32, #tpu.memory_space<hbm>> -> memref<128x100xf32, #tpu.memory_space<hbm>>
      %dma_start3A_102 = tpu.memref_reshape %arg4 : memref<4096x200x100xf32, #tpu.memory_space<hbm>> -> memref<819200x100xf32, #tpu.memory_space<hbm>>
      %dma_start3A_103 = arith.constant 0 : i32
      %dma_start3A_104 = tpu.memref_slice %dma_start3A_102[%add3A_98, %dma_start3A_103] : memref<819200x100xf32, #tpu.memory_space<hbm>> -> memref<128x100xf32, #tpu.memory_space<hbm>>
      tpu.enqueue_dma source(%arg9 : memref<128x100xf32, #tpu.memory_space<vmem>>) target(%dma_start3A_104 : memref<128x100xf32, #tpu.memory_space<hbm>>) target_semaphore(%arg13 : memref<!tpu.dma_semaphore, #tpu.memory_space<semaphore_mem>>)
      %scan3A_105 = arith.constant 0 : i32
      scf.yield %scan3A_105 : i32
    }
    %scan3A_16 = arith.constant 100 : i32
    %add3A_17 = arith.constant 25344 : i32
    %add3A_18 = arith.addi %mul3A_2, %add3A_17 : i32
    %dma_wait3A = tpu.memref_reshape %arg4 : memref<4096x200x100xf32, #tpu.memory_space<hbm>> -> memref<819200x100xf32, #tpu.memory_space<hbm>>
    %dma_wait3A_19 = arith.constant 0 : i32
    %dma_wait3A_20 = tpu.memref_slice %dma_wait3A[%add3A_18, %dma_wait3A_19] : memref<819200x100xf32, #tpu.memory_space<hbm>> -> memref<128x100xf32, #tpu.memory_space<hbm>>
    %dma_wait3A_21 = tpu.memref_reshape %arg4 : memref<4096x200x100xf32, #tpu.memory_space<hbm>> -> memref<819200x100xf32, #tpu.memory_space<hbm>>
    %dma_wait3A_22 = arith.constant 0 : i32
    %dma_wait3A_23 = tpu.memref_slice %dma_wait3A_21[%add3A_18, %dma_wait3A_22] : memref<819200x100xf32, #tpu.memory_space<hbm>> -> memref<128x100xf32, #tpu.memory_space<hbm>>
    tpu.wait_dma2 semaphore(%arg12 : memref<!tpu.dma_semaphore, #tpu.memory_space<semaphore_mem>>) src(%arg8 : memref<128x100xf32, #tpu.memory_space<vmem>>) dst(%dma_wait3A_23 : memref<128x100xf32, #tpu.memory_space<hbm>>)
    %add3A_24 = arith.constant 25472 : i32
    %add3A_25 = arith.addi %mul3A_2, %add3A_24 : i32
    %dma_wait3A_26 = tpu.memref_reshape %arg4 : memref<4096x200x100xf32, #tpu.memory_space<hbm>> -> memref<819200x100xf32, #tpu.memory_space<hbm>>
    %dma_wait3A_27 = arith.constant 0 : i32
    %dma_wait3A_28 = tpu.memref_slice %dma_wait3A_26[%add3A_25, %dma_wait3A_27] : memref<819200x100xf32, #tpu.memory_space<hbm>> -> memref<128x100xf32, #tpu.memory_space<hbm>>
    %dma_wait3A_29 = tpu.memref_reshape %arg4 : memref<4096x200x100xf32, #tpu.memory_space<hbm>> -> memref<819200x100xf32, #tpu.memory_space<hbm>>
    %dma_wait3A_30 = arith.constant 0 : i32
    %dma_wait3A_31 = tpu.memref_slice %dma_wait3A_29[%add3A_25, %dma_wait3A_30] : memref<819200x100xf32, #tpu.memory_space<hbm>> -> memref<128x100xf32, #tpu.memory_space<hbm>>
    tpu.wait_dma2 semaphore(%arg13 : memref<!tpu.dma_semaphore, #tpu.memory_space<semaphore_mem>>) src(%arg9 : memref<128x100xf32, #tpu.memory_space<vmem>>) dst(%dma_wait3A_31 : memref<128x100xf32, #tpu.memory_space<hbm>>)
    return
  }
}

module attributes {stable_mosaic.version = 14 : i64} {
  func.func @body(%arg0: i32, %arg1: memref<10000x128xf32, #tpu.memory_space<vmem>>, %arg2: memref<10000x128xf32, #tpu.memory_space<vmem>>) attributes {dimension_semantics = [#tpu.dimension_semantics<arbitrary>], iteration_bounds = array<i64: 100>, scalar_prefetch = 0 : i64, scratch_operands = 0 : i64, tpu.core_type = #tpu.core_type<tc>, window_params = [{transform_indices = @transform_0, window_bounds = array<i64: 10000, 128>}, {transform_indices = @transform_1, window_bounds = array<i64: 10000, 128>}]} {
    %get3A = arith.constant 0 : index
    %get3A_0 = arith.constant 0 : index
    %get3A_1 = vector.load %arg1[%get3A, %get3A_0] : memref<10000x128xf32, #tpu.memory_space<vmem>>, vector<10000x128xf32>
    %swap3A = arith.constant 0 : index
    %swap3A_2 = arith.constant 0 : index
    %swap3A_3 = vector.load %arg2[%swap3A, %swap3A_2] : memref<10000x128xf32, #tpu.memory_space<vmem>>, vector<10000x128xf32>
    tpu.vector_store %arg2[%swap3A, %swap3A_2], %get3A_1 {strides = array<i32>} : memref<10000x128xf32, #tpu.memory_space<vmem>>, vector<10000x128xf32>,
    return
  }
  func.func @transform_0(%arg0: i32) -> (i32, i32) {
    %c0_i32 = arith.constant 0 : i32
    %c0_i32_0 = arith.constant 0 : i32
    return %arg0, %c0_i32 : i32, i32
  }
  func.func @transform_1(%arg0: i32) -> (i32, i32) {
    %c0_i32 = arith.constant 0 : i32
    %c0_i32_0 = arith.constant 0 : i32
    return %arg0, %c0_i32 : i32, i32
  }
}

</mosaic_0001>

<sc_bundles>
// kernel: kernel.4.cloned.1.call-start
scs
__scs_entry_jumppad:
0x0: {  	(pc) =	sbr.rel $0x88, $3  }
0x1: {  	(tag) =	ssettag $0x0;
	lr =	simm.s32 $0x1  }
0x2: {  	[smem:$0x3F9F] =	sst lr;
	_ =	strace $0xD0000000  }
0x3: {  	_ = 	snop  }
0x4: {  	_ = 	snop  }
0x5: {  	_ = 	snop  }
0x6: {  	_ = 	snop  }
0x7: {  	_ = 	snop  }
__scs_overlays_trampoline_lowered:
0x8: {  	[smem:$0x3FAE] =	sst s0  }
0x9: {  	[smem:$0x3FAF] =	sst s1  }
0xa: {  	[smem:$0x3FB0] =	sst s2  }
0xb: {  	[smem:$0x3FB1] =	sst s3  }
0xc: {  	[smem:$0x3FB2] =	sst s4  }
0xd: {  	[smem:$0x3FB3] =	sst s5  }
0xe: {  	[smem:$0x3FB4] =	sst s6  }
0xf: {  	[smem:$0x3FB5] =	sst s7  }
0x10: {  	[smem:$0x3FB6] =	sst s8  }
0x11: {  	[smem:$0x3FB7] =	sst s9;
	s0 =	simm.s32 @!p0 $0x0  }
0x12: {  	s1 =	sld [smem:$0x3F9D];
	s0 =	simm.s32 @p0 $0x1  }
0x13: {  	[smem:$0x3FB8] =	sst s0;
	s0 =	simm.s32 @!p1 $0x0  }
0x14: {  	s2 =	sld [smem:$0x3F9C];
	s0 =	simm.s32 @p1 $0x1  }
0x15: {  	[smem:$0x3FB9] =	sst s0;
	s0 =	simm.s32 @!p2 $0x0  }
0x16: {  	s3 =	sld [smem:$0x3FDB];
	s0 =	simm.s32 @p2 $0x1  }
0x17: {  	s4 =	simm.s32 $0x1BF5;
	[smem:$0x3FBB] =	sst s0  }
0x18: {  	s0 =	sld [smem:$0x3F9E];
	_ =	swait.ge [sflag:s4], $0x0  }
0x19: {  	s7 =	sld [smem:$0x3F9F]  }
0x1a: {  	s8 =	sadd.s32 $0xFFFFE003, lr  }
0x1b: {  	s9 =	sadd.s32 $0xFFFFFEF7, lr;
	s5 =	simm.s32 $0xFFFFFFFF;
	p2 =	slt.u32 s8, $0xFFFFF086  }
0x1c: {  	p1 =	slt.u32 s9, $0xF7A;
	s5 =	simm.s32 @!p2 $0x0  }
0x1d: {  	s5 =	simm.s32 @p1 $0x1;
	p0 =	seq.s32 s7, s2  }
0x1e: {  	s7 =	smul.u32 @!p0 $0xF7A, s2;
	p2 =	seq.s32 @!p0 s5, $0x0  }
0x1f: {  	s9 =	smul.u32 $0xF7A, s1;
	s8 =	simm.s32 @!p0 $0x1BF5;
	p2 =	por !p2, p0  }
0x20: {  	[sflag:s8] =	ssyncset.s32 @!p0 $0xFFFFF086;
	s6 =	sadd.s32 @!p0 s3, s7;
	s7 =	simm.s32 @!p0 $0x108  }
0x21: {  	s3 =	sadd.s32 s3, s9;
	s6 =	sadd.s32 @!p0 $0x88, s6;
	s7 =	simm.s32 @p2 $0x1082  }
0x22: {  	[simem:s7], [sflag:s8] =	dma.local @!p0 [hbm:s6], $0xF7A  }
0x23: {  	s9 =	sor.u32 $0xD0000000, s2;
	s6 =	simm.s32 $0x108;
	_ =	swait.ge @!p0 [sflag:s8], $0x0  }
0x24: {  	s3 =	sadd.s32 $0x88, s3;
	s6 =	simm.s32 @!p1 $0x1082;
	[sflag:s4] =	ssyncset.s32 $0xFFFFF086  }
0x25: {  	[simem:s6], [sflag:s4] =	dma.local [hbm:s3], $0xF7A  }
0x26: {  	[smem:$0x3F9F] =	sst s1;
	(tag) =	ssettag s2;
	_ =	strace s9  }
0x27: {  	s1 =	sld [smem:$0x3FAF]  }
0x28: {  	s2 =	sld [smem:$0x3FB0]  }
0x29: {  	s4 =	sld [smem:$0x3FB2]  }
0x2a: {  	p0 =	seq.s32 s5, $0x0;
	s5 =	sld [smem:$0x3FB3]  }
0x2b: {  	s6 =	sld [smem:$0x3FB4]  }
0x2c: {  	s7 =	sld [smem:$0x3FB5]  }
0x2d: {  	s3 =	simm.s32 $0x108;
	s8 =	sld [smem:$0x3FB6]  }
0x2e: {  	s3 =	simm.s32 @!p0 $0x1082;
	s9 =	sld [smem:$0x3FB7]  }
0x2f: {  	lr =	sadd.s32 s0, s3;
	s0 =	sld [smem:$0x3FAE]  }
0x30: {  	s3 =	sld [smem:$0x3FB1]  }
0x31: {  	[smem:$0x3FBA] =	sst s10  }
0x32: {  	s10 =	sld [smem:$0x3FB8];
	_ =	sdelay $0x3  }
0x33: {  	p0 =	seq.s32 s10, $0x1;
	s10 =	sld [smem:$0x3FBA];
	_ =	sdelay $0x3  }
0x34: {  	[smem:$0x3FBA] =	sst s10  }
0x35: {  	s10 =	sld [smem:$0x3FB9];
	_ =	sdelay $0x3  }
0x36: {  	p1 =	seq.s32 s10, $0x1;
	s10 =	sld [smem:$0x3FBA];
	_ =	sdelay $0x3  }
0x37: {  	[smem:$0x3FBA] =	sst s10  }
0x38: {  	s10 =	sld [smem:$0x3FBB]  }
0x39: {  	_ = 	snop;
	(pc) =	sbr.ind lr, $3  }
0x3a: {  	_ = 	snop  }
0x3b: {  	_ = 	snop  }
0x3c: {  	p2 =	seq.s32 s10, $0x1;
	s10 =	sld [smem:$0x3FBA]  }
0x3d: {  	_ =	shalt  }
0x3e: {  	_ =	shalt  }
0x3f: {  	_ =	shalt  }
0x40: {  	_ =	shalt  }
0x41: {  	_ =	shalt  }
0x42: {  	_ =	shalt  }
0x43: {  	_ =	shalt  }
0x44: {  	_ =	shalt  }
0x45: {  	_ =	shalt  }
0x46: {  	_ =	shalt  }
0x47: {  	_ =	shalt  }
0x48: {  	_ =	shalt  }
0x49: {  	_ =	shalt  }
0x4a: {  	_ =	shalt  }
0x4b: {  	_ =	shalt  }
0x4c: {  	_ =	shalt  }
0x4d: {  	_ =	shalt  }
0x4e: {  	_ =	shalt  }
0x4f: {  	_ =	shalt  }
0x50: {  	_ =	shalt  }
0x51: {  	_ =	shalt  }
0x52: {  	_ =	shalt  }
0x53: {  	_ =	shalt  }
0x54: {  	_ =	shalt  }
0x55: {  	_ =	shalt  }
0x56: {  	_ =	shalt  }
0x57: {  	_ =	shalt  }
0x58: {  	_ =	shalt  }
0x59: {  	_ =	shalt  }
0x5a: {  	_ =	shalt  }
0x5b: {  	_ =	shalt  }
0x5c: {  	_ =	shalt  }
0x5d: {  	_ =	shalt  }
0x5e: {  	_ =	shalt  }
0x5f: {  	_ =	shalt  }
0x60: {  	_ =	shalt  }
0x61: {  	_ =	shalt  }
0x62: {  	_ =	shalt  }
0x63: {  	_ =	shalt  }
0x64: {  	_ =	shalt  }
0x65: {  	_ =	shalt  }
0x66: {  	_ =	shalt  }
0x67: {  	_ =	shalt  }
0x68: {  	_ =	shalt  }
0x69: {  	_ =	shalt  }
0x6a: {  	_ =	shalt  }
0x6b: {  	_ =	shalt  }
0x6c: {  	_ =	shalt  }
0x6d: {  	_ =	shalt  }
0x6e: {  	_ =	shalt  }
0x6f: {  	_ =	shalt  }
0x70: {  	_ =	shalt  }
0x71: {  	_ =	shalt  }
0x72: {  	_ =	shalt  }
0x73: {  	_ =	shalt  }
0x74: {  	_ =	shalt  }
0x75: {  	_ =	shalt  }
0x76: {  	_ =	shalt  }
0x77: {  	_ =	shalt  }
0x78: {  	_ =	shalt  }
0x79: {  	_ =	shalt  }
0x7a: {  	_ =	shalt  }
0x7b: {  	_ =	shalt  }
0x7c: {  	_ =	shalt  }
0x7d: {  	_ =	shalt  }
0x7e: {  	_ =	shalt  }
0x7f: {  	_ =	shalt  }
0x80: {  	_ =	shalt  }
0x81: {  	_ =	shalt  }
0x82: {  	_ =	shalt  }
0x83: {  	_ =	shalt  }
0x84: {  	_ =	shalt  }
0x85: {  	_ =	shalt  }
0x86: {  	_ =	shalt  }
0x87: {  	_ =	shalt  }
.Lfunc_end0:
.L_simem_size_0:
called_computation_lowered:
.L_overlay_start_0:
0x88: {  	s2 =	sld [smem:$0x3FD9]  }
0x89: {  	s3 =	sld [smem:$0x3FFE];
	_ =	sdelay $0x1  }
0x8a: {  	s1 =	srdreg.scid  }
0x8b: {  	s0 =	sand.u32 $0x1, s1  }
0x8c: {  	s17 =	sshll.u32 s0, $0xA;
	s2 =	sadd.s32 s3, s2  }
0x8d: {  	s2 =	sadd.s32 s2, s17  }
0x8e: {  	[smem:$0x3FC6] =	sst s2  }
0x8f: {  	_ = 	snop  }
0x90: {  	s2 =	sld [smem:$0x3FD0];
	(tm) =	ssettm $0x1  }
0x91: {  	s18 =	sld [smem:$0x3FFB];
	_ =	sdelay $0x3  }
0x92: {  	_ =	strace s18  }
0x93: {  	s3 =	sld [smem:$0x3FFC];
	_ =	sdelay $0x3  }
0x94: {  	_ =	strace s3  }
0x95: {  	s3 =	sld [smem:$0x3FFD];
	_ =	sdelay $0x3  }
0x96: {  	_ =	strace s3  }
0x97: {  	_ =	strace $0x8FFFFFFF  }
0x98: {  	s19 =	sld [smem:$0x3FDB];
	_ =	sdelay $0x1  }
0x99: {  	s4 =	simm.s32 $_scs_section_size  }
0x9a: {  	s5 =	simm.s32 $_size__tile_overlayer_lowered;
	s6 =	simm.s32 $_tile_overlayer_lowered  }
0x9b: {  	s22 =	simm.s32 $0x1BFF;
	s21 =	sshll.u32 s6, $0x1;
	s3 =	sadd.s32 s4, s19  }
0x9c: {  	s7 =	simm.s32 $0x0;
	s20 =	sshll.u32 s5, $0x1;
	s5 =	sadd.s32 s21, s3  }
0x9d: {  	[timem:s7], [sflag:s22] =	dma.local [hbm:s5], s20  }
0x9e: {  	_ =	swait.ge [sflag:s22], s20  }
0x9f: {  	s4 =	ssub.s32 $0x0, s20;
	[sflag:s22] =	ssyncset.done $0x0  }
0xa0: {  	[sflag:s22] =	ssyncadd.s32 s4;
	_ =	sdelay $0x1  }
0xa1: {  	s23 =	simm.s32 $0x1B8B  }
0xa2: {  	_ =	swait.ge [sflag:s23], $0x1  }
0xa3: {  	[sflag:s23] =	ssyncset.done $0x0  }
0xa4: {  	s25 =	simm.s32 $0x1B8E;
	s24 =	sld [smem:$0x3FFE];
	[sflag:s23] =	ssyncadd.s32 $0xFFFFFFFF  }
0xa5: {  	s26 =	simm.s32 $execute0_lowered;
	[smem:$0x3FD2] =	sst s25  }
0xa6: {  	s5 =	sshll.u32 s26, $0x1;
	_ =	strace $0x80000046;
	[dreg:$0x1] =	wrdreg $0xFFFFFFFF  }
0xa7: {  	s28 =	simm.s32 $_size_execute0_lowered;
	s3 =	sadd.s32 s3, s5;
	[dreg:$0x0] =	wrdreg $0x0  }
0xa8: {  	s5 =	sshll.u32 s28, $0x1;
	[dreg:$0x2] =	wrdreg s3  }
0xa9: {  	[dreg:$0x3] =	wrdreg s5  }
0xaa: {  	[dreg:$0x4] =	wrdreg $0xC0  }
0xab: {  	_ =	task [dreg:s7], $0x5FFFF  }
0xac: {  	[dreg:$0x1] =	wrdreg $0xFFFFFFFF  }
0xad: {  	[dreg:$0x0] =	wrdreg $0x60  }
0xae: {  	[dreg:$0x2] =	wrdreg s2  }
0xaf: {  	[dreg:$0x3] =	wrdreg s24  }
0xb0: {  	[dreg:$0x4] =	wrdreg $0x9  }
0xb1: {  	_ =	task.clear_ibuf [dreg:s7], $0x5FFFF;
	_ =	strace $0x90000046  }
0xb2: {  	s29 =	simm.s32 $0x9;
	_ =	strace $0x80000048  }
0xb3: {  	_ =	swait.ge [sflag:s29], $0x1  }
0xb4: {  	[sflag:s29] =	ssyncadd.s32 $0xFFFFFFFF  }
0xb5: {  	_ =	strace $0x90000048  }
0xb6: {  	_ =	sfence  }
0xb7: {  	s30 =	sld [smem:$0x0];
	_ =	sdelay $0x2  }
0xb8: {  	s31 =	sshll.u32 s1, $0xD;
	s1 =	sshrl.u32 s1, $0x2  }
0xb9: {  	s3 =	sand.u32 $0x4000, s31;
	s1 =	sadd.s32 s1, s30  }
0xba: {  	s0 =	sor.u32 s3, s0;
	s1 =	sshll.u32 s1, $0x11  }
0xbb: {  	s0 =	sor.u32 s1, s0  }
0xbc: {  	s0 =	sadd.s32 $0x8F2B, s0  }
0xbd: {  	[sflag:s0] =	ssyncadd.remote.s32 $0x1  }
0xbe: {  	_ =	sfence.sel $0xFFFF  }
0xbf: {  	[dreg:$0x0] =	wrdreg $0xFFFFFFFF;
	(pc) =	sbr.abs _section_cstart, $3  }
0xc0: {  	[dreg:$0x1] =	wrdreg $0xFFFFFFFF  }
0xc1: {  	_ =	task.clear_ibuf [dreg:s7], $0x2FFFF;
	_ =	strace $0x9FFFFFFF  }
0xc2: {  	(tm) =	ssettm $0x7FFFFFFF  }
0xc3: {  	_ =	shalt  }
tec
execute0_lowered:
.L_overlay_start_1:
0x0: {  	(tag) =	ssettag $0x1  }
0x1: {  	s6 =	rddreg [dreg:$0x0]  }
0x2: {  	s4 =	rddreg [dreg:$0x1]  }
0x3: {  	s0 =	rddreg [dreg:$0x2];
	s2 =	simm.s32 $0x0;
	s3 =	srdreg.scid  }
0x4: {  	s1 =	stileid.u32;
	s11 =	simm.s32 $0x6400;
	s12 =	simm.s32 $0xA400  }
0x5: {  	s13 =	simm.s32 $0x1;
	s14 =	simm.s32 $0xE400;
	s15 =	simm.s32 $0x2  }
0x6: {  	s16 =	simm.s32 $0x4;
	s17 =	simm.s32 $0x12400;
	s18 =	simm.s32 $0x3  }
0x7: {  	s19 =	simm.s32 $0x0;
	s5 =	sand.u32 $0x1, s3;
	s31 =	sshll.u32 s1, $0x1  }
0x8: {  	[smem:$0x7FF] =	sst s2;
	s3 =	sadd.s32 $0xF42A00, s4;
	s7 =	sor.u32 s5, s31  }
0x9: {  	s4 =	sadd.s32 $0x600, s4;
	s8 =	ssub.s32 $0x2, s5;
	s9 =	smul.u32 $0xC80, s7  }
0xa: {  	_ =	strace $0x80000047;
	s10 =	sshrl.u32 s8, $0x1;
	s5 =	smul.u32 $0x6400, s7  }
0xb: {  	s7 =	smul.u32 $0x320000, s7;
	s8 =	ssub.s32 s8, s10;
	s10 =	simm.s32 $0x80  }
0xc: {  	s6 =	sadd.s32 s6, s9;
	s8 =	smax.u32 s8, $0x1;
	s9 =	simm.s32 $0x5  }
.LBB2_1:
0xd: {  	[tilespmem:s2], [sflag:$0x5] =	stream.linear.gather [hbm4b:s6+s2], $0x6400, $0x38;
	[tilespmem:$0x16400] =	vst v63  }
0xe: {  	_ =	swait.ge [sflag:s9], $0x6400  }
0xf: {  	[sflag:s9] =	ssyncset.done $0x0  }
0x10: {  	s20 =	simm.s32 $0x0;
	[sflag:s9] =	ssyncadd.s32 $0xFFFF9C00  }
0x11: {  	[tilespmem:s11], [sflag:$0x1] =	stream.indirect.gather [hbm4b:s3+s10], $0x80, s2, s10, $0xb8;
	[tilespmem:$0x16400] =	vst v63  }
.LBB2_2:
0x12: {  	s21 =	sshll.u32 s20, $0x8  }
0x13: {  	s21 =	sor.u32 $0x80, s21  }
0x14: {  	[tilespmem:s12], [sflag:$0x2] =	stream.indirect.gather [hbm4b:s3+s10], $0x80, s21, s10, $0xb8;
	[tilespmem:$0x16400] =	vst v63  }
0x15: {  	_ =	swait.ge [sflag:s13], $0x4000  }
0x16: {  	p0 =	seq.s32 s20, $0x0;
	[sflag:s13] =	ssyncset.done $0x0  }
0x17: {  	s22 =	simm.s32 @!p0 $0x3;
	[sflag:s13] =	ssyncadd.s32 $0xFFFFC000  }
0x18: {  	_ =	swait.ge @!p0 [sflag:s22], $0x4000  }
0x19: {  	[sflag:s22] =	ssyncset.done @!p0 $0x0  }
0x1a: {  	s23 =	simm.s32 $0x0;
	[sflag:s22] =	ssyncadd.s32 @!p0 $0xFFFFC000  }
0x1b: {  	v3 =	vld [tilespmem:s23+$0x6450]  }
0x1c: {  	v4 =	vld [tilespmem:s23+$0x6454]  }
0x1d: {  	v5 =	vld [tilespmem:s23+$0x6400]  }
0x1e: {  	v2 =	vld [tilespmem:s23+$0x6410]  }
0x1f: {  	v0 =	vld [tilespmem:s23+$0x6420]  }
0x20: {  	v1 =	vld [tilespmem:s23+$0x6430];
	[tilespmem:s23+$0xE450] =	vst v3  }
0x21: {  	s24 =	simm.s32 $0x80;
	v3 =	vld [tilespmem:s23+$0x6440];
	[tilespmem:s23+$0xE454] =	vst v4  }
0x22: {  	s25 =	simm.s32 $0x400;
	s22 =	sshll.u32 s20, $0xA;
	v4 =	vld [tilespmem:s24+$0x6450];
	[tilespmem:s23+$0xE400] =	vst v5  }
.LBB2_3:
0x23: {  	p1 =	sne.s32 s25, $0xFE00;
	v5 =	vld [tilespmem:s24+$0x6454];
	[tilespmem:s23+$0xE410] =	vst v2  }
0x24: {  	v6 =	vld [tilespmem:s24+$0x6400];
	[tilespmem:s23+$0xE420] =	vst v0  }
.Ltmp0:
0x25: {  	v2 =	vld [tilespmem:s24+$0x6410];
	[tilespmem:s23+$0xE430] =	vst v1;
	(pc) =	sbr.rel @p1 .LBB2_3-.Ltmp0, $4  }
0x26: {  	v0 =	vld [tilespmem:s24+$0x6420];
	[tilespmem:s23+$0xE440] =	vst v3;
	s23 =	smov.u32 s24  }
0x27: {  	v1 =	vld [tilespmem:s23+$0x6430];
	[tilespmem:s23+$0xE450] =	vst v4  }
0x28: {  	s24 =	sshra.s32 s25, $0x2;
	v3 =	vld [tilespmem:s23+$0x6440];
	[tilespmem:s23+$0xE454] =	vst v5  }
0x29: {  	s25 =	sadd.s32 $0x200, s25;
	v4 =	vld [tilespmem:s24+$0x6450];
	[tilespmem:s23+$0xE400] =	vst v6  }
0x2a: {  	v5 =	vld [tilespmem:s24+$0x6454];
	[tilespmem:s23+$0xE410] =	vst v2  }
0x2b: {  	v2 =	vld [tilespmem:s24+$0x6400];
	[tilespmem:s23+$0xE420] =	vst v0  }
0x2c: {  	v0 =	vld [tilespmem:s24+$0x6410];
	[tilespmem:s23+$0xE430] =	vst v1  }
0x2d: {  	v1 =	vld [tilespmem:s24+$0x6420];
	[tilespmem:s23+$0xE440] =	vst v3  }
0x2e: {  	v3 =	vld [tilespmem:s24+$0x6430];
	[tilespmem:s24+$0xE450] =	vst v4  }
0x2f: {  	v63 =	vld [tilespmem:s24+$0x6440];
	[tilespmem:s24+$0xE454] =	vst v5  }
0x30: {  	p1 =	sne.s32 s20, $0x63;
	[tilespmem:s24+$0xE400] =	vst v2  }
.Ltmp1:
0x31: {  	s31 =	sshll.u32 s20, $0xF;
	[tilespmem:s24+$0xE410] =	vst v0;
	(pc) =	sbr.rel @p1 .LBB2_6-.Ltmp1, $4  }
0x32: {  	s23 =	sadd.s32 s7, s31;
	[tilespmem:s24+$0xE420] =	vst v1  }
0x33: {  	s23 =	sshrl.u32 s23, $0x3;
	[tilespmem:s24+$0xE430] =	vst v3  }
0x34: {  	s23 =	sadd.s32 s4, s23;
	[tilespmem:s24+$0xE440] =	vst v63  }
0x35: {  	[hbm4b:s23+s2] =	stream.linear.scatter [tilespmem:s14], [sflag:$0x3], $0x4000, $0x38;
	[tilespmem:$0x16400] =	vst v63  }
.Ltmp2:
0x36: {  	(pc) =	sbr.rel .LBB2_7-.Ltmp2, $4  }
0x37: {  	_ = 	snop  }
0x38: {  	_ =	swait.ge [sflag:s15], $0x4000  }
0x39: {  	[sflag:s15] =	ssyncset.done $0x0  }
0x3a: {  	[sflag:s15] =	ssyncadd.s32 $0xFFFFC000  }
.LBB2_6:
0x3b: {  	s22 =	sshrl.u32 s22, $0x2  }
.Ltmp3:
0x3c: {  	s22 =	sadd.s32 $0x100, s22;
	(pc) =	sbr.rel @p0 .LBB2_8-.Ltmp3, $4  }
0x3d: {  	[tilespmem:s11], [sflag:$0x1] =	stream.indirect.gather [hbm4b:s3+s10], $0x80, s22, s10, $0xb8;
	[tilespmem:$0x16400] =	vst v63  }
0x3e: {  	_ =	swait.ge [sflag:s15], $0x4000  }
0x3f: {  	[sflag:s15] =	ssyncset.done $0x0  }
0x40: {  	[sflag:s15] =	ssyncadd.s32 $0xFFFFC000  }
.LBB2_7:
0x41: {  	_ =	swait.ge [sflag:s16], $0x4000  }
0x42: {  	[sflag:s16] =	ssyncset.done $0x0  }
0x43: {  	[sflag:s16] =	ssyncadd.s32 $0xFFFFC000  }
.LBB2_8:
0x44: {  	s22 =	simm.s32 $0x0  }
0x45: {  	v3 =	vld [tilespmem:s22+$0xA450]  }
0x46: {  	v4 =	vld [tilespmem:s22+$0xA454]  }
0x47: {  	v5 =	vld [tilespmem:s22+$0xA400]  }
0x48: {  	v2 =	vld [tilespmem:s22+$0xA410]  }
0x49: {  	v0 =	vld [tilespmem:s22+$0xA420]  }
0x4a: {  	v1 =	vld [tilespmem:s22+$0xA430];
	[tilespmem:s22+$0x12450] =	vst v3  }
0x4b: {  	s23 =	simm.s32 $0x80;
	v3 =	vld [tilespmem:s22+$0xA440];
	[tilespmem:s22+$0x12454] =	vst v4  }
0x4c: {  	s24 =	simm.s32 $0x400;
	v4 =	vld [tilespmem:s23+$0xA450];
	[tilespmem:s22+$0x12400] =	vst v5  }
.LBB2_9:
0x4d: {  	p0 =	sne.s32 s24, $0xFE00;
	v5 =	vld [tilespmem:s23+$0xA454];
	[tilespmem:s22+$0x12410] =	vst v2  }
0x4e: {  	v6 =	vld [tilespmem:s23+$0xA400];
	[tilespmem:s22+$0x12420] =	vst v0  }
.Ltmp4:
0x4f: {  	v2 =	vld [tilespmem:s23+$0xA410];
	[tilespmem:s22+$0x12430] =	vst v1;
	(pc) =	sbr.rel @p0 .LBB2_9-.Ltmp4, $4  }
0x50: {  	v0 =	vld [tilespmem:s23+$0xA420];
	[tilespmem:s22+$0x12440] =	vst v3;
	s22 =	smov.u32 s23  }
0x51: {  	v1 =	vld [tilespmem:s22+$0xA430];
	[tilespmem:s22+$0x12450] =	vst v4  }
0x52: {  	s23 =	sshra.s32 s24, $0x2;
	v3 =	vld [tilespmem:s22+$0xA440];
	[tilespmem:s22+$0x12454] =	vst v5  }
0x53: {  	s24 =	sadd.s32 $0x200, s24;
	v4 =	vld [tilespmem:s23+$0xA450];
	[tilespmem:s22+$0x12400] =	vst v6  }
0x54: {  	v5 =	vld [tilespmem:s23+$0xA454];
	[tilespmem:s22+$0x12410] =	vst v2  }
0x55: {  	v2 =	vld [tilespmem:s23+$0xA400];
	[tilespmem:s22+$0x12420] =	vst v0  }
0x56: {  	v0 =	vld [tilespmem:s23+$0xA410];
	[tilespmem:s22+$0x12430] =	vst v1  }
0x57: {  	v1 =	vld [tilespmem:s23+$0xA420];
	[tilespmem:s22+$0x12440] =	vst v3  }
0x58: {  	v3 =	vld [tilespmem:s23+$0xA430];
	[tilespmem:s23+$0x12450] =	vst v4  }
0x59: {  	s20 =	sadd.s32 $0x1, s20;
	v63 =	vld [tilespmem:s23+$0xA440];
	[tilespmem:s23+$0x12454] =	vst v5  }
0x5a: {  	p0 =	sne.s32 s20, $0x64;
	[tilespmem:s23+$0x12400] =	vst v2  }
.Ltmp5:
0x5b: {  	[tilespmem:s23+$0x12410] =	vst v0;
	(pc) =	sbr.rel @p0 .LBB2_2-.Ltmp5, $4  }
0x5c: {  	s21 =	sadd.s32 s5, s21;
	[tilespmem:s23+$0x12420] =	vst v1  }
0x5d: {  	s21 =	sshll.u32 s21, $0x4;
	[tilespmem:s23+$0x12430] =	vst v3  }
0x5e: {  	s21 =	sadd.s32 s4, s21;
	[tilespmem:s23+$0x12440] =	vst v63  }
0x5f: {  	[hbm4b:s21+s2] =	stream.linear.scatter [tilespmem:s17], [sflag:$0x4], $0x4000, $0x38;
	[tilespmem:$0x16400] =	vst v63  }
0x60: {  	s19 =	sadd.s32 $0x1, s19  }
0x61: {  	_ =	swait.ge [sflag:s18], $0x4000;
	p0 =	sne.s32 s19, s8  }
.Ltmp6:
0x62: {  	[sflag:s18] =	ssyncset.done $0x0;
	(pc) =	sbr.rel @p0 .LBB2_1-.Ltmp6, $4  }
0x63: {  	[sflag:s18] =	ssyncadd.s32 $0xFFFFC000  }
0x64: {  	_ =	swait.ge [sflag:s16], $0x4000  }
0x65: {  	[sflag:s16] =	ssyncset.done $0x0  }
0x66: {  	[sflag:s16] =	ssyncadd.s32 $0xFFFFC000  }
0x67: {  	_ =	sfence.sel $0x180000  }
0x68: {  	[bflag:$0x0] =	sbarrier.arrive $0xFFFF  }
0x69: {  	p0 =	sne.s32 s1, $0x0;
	_ =	strace $0x90000047  }
0x6a: {  	s0 =	sadd.s32 @!p0 $0x100000, s0;
	[bflag:$0x2] =	sbarrier.arrive $0xFFFF  }
0x6b: {  	[sflag:s0] =	ssyncadd.tile.s32 @!p0 $0x1;
	_ =	shalt  }
.Lfunc_end2:
_tile_overlayer_lowered:
.L_overlay_start_2:
0x6c: {  	(tag) =	ssettag $0x2  }
0x6d: {  	s0 =	rddreg [dreg:$0x0];
	s2 =	stileid.u32  }
0x6e: {  	s1 =	rddreg [dreg:$0x1];
	p0 =	sne.s32 s2, $0x0  }
0x6f: {  	s3 =	rddreg [dreg:$0x2];
	[bflag:$0x3] =	sbarrier.arrive $0xFFFF;
	s2 =	simm.s32 @!p0 $0x1C05  }
0x70: {  	[timem:s3], [sflag:s2] =	dma.local @!p0 [hbm:s0], s1  }
0x71: {  	s0 =	simm.s32 @!p0 $0x5  }
0x72: {  	_ =	swait.ge @!p0 [sflag:s0], s1  }
0x73: {  	s1 =	ssub.s32 @!p0 $0x0, s1;
	[sflag:s0] =	ssyncset.done @!p0 $0x0  }
0x74: {  	[sflag:s0] =	ssyncadd.s32 @!p0 s1  }
0x75: {  	[bflag:$0x3] =	sbarrier.arrive $0xFFFF  }
0x76: {  	_ =	shalt  }

</sc_bundles>
